<compile_context>
chip_gen: v7x
topology: tpu7x:2x2x1
jax: 0.10.2.dev20260603
libtpu: 0.0.44.dev20260713+nightly
codegen_flags: <defaults>
</compile_context>

<pallas_src>
import functools

import jax
import jax.numpy as jnp
from jax import lax
from jax.experimental import pallas as pl
from jax.experimental.pallas import tpu as pltpu
from jax.experimental.pallas import tpu_sc as plsc

Z_SPLIT = 32
D_TOT = 64
M_CODES = 1024
TOKEN_BLOCK = 4096


def _fused_kernel(x_ref, m_ref, w1_ref, g_ref, b_ref, w2_ref, b2_ref,
                  emb_ref, z_ref, idx_ref, loss_ref, *, inv_b):
    tb = x_ref.shape[0]
    h = jnp.dot(x_ref[...], w1_ref[...], preferred_element_type=jnp.float32)
    mu = jnp.mean(h, axis=-1, keepdims=True)
    var = jnp.mean((h - mu) ** 2, axis=-1, keepdims=True)
    h = (h - mu) * jax.lax.rsqrt(var + 1e-5) * g_ref[...] + b_ref[...]
    h = jnp.maximum(h, 0.0)
    z = jnp.dot(h, w2_ref[...], preferred_element_type=jnp.float32) + b2_ref[...]
    z_ref[...] = z

    lane = jax.lax.broadcasted_iota(jnp.int32, (tb, D_TOT), 1)
    head0 = lane < Z_SPLIT
    neg_inf = jnp.float32(-jnp.inf)
    m0 = jnp.max(jnp.where(head0, z, neg_inf), axis=-1, keepdims=True)
    m1 = jnp.max(jnp.where(head0, neg_inf, z), axis=-1, keepdims=True)
    mx = jnp.where(head0, m0, m1)
    ez = jnp.exp(z - mx)
    s0 = jnp.sum(jnp.where(head0, ez, 0.0), axis=-1, keepdims=True)
    s1 = jnp.sum(jnp.where(head0, 0.0, ez), axis=-1, keepdims=True)
    et = ez * jnp.where(head0, 1.0 / s0, 1.0 / s1)
    const = (jnp.sum(et * z, axis=-1, keepdims=True)
             - m0 - jnp.log(s0) - m1 - jnp.log(s1))

    log_e = jnp.log(emb_ref[...])
    dots = jax.lax.dot_general(et, log_e, (((1,), (1,)), ((), ())),
                               preferred_element_type=jnp.float32)
    maxdots = jnp.max(dots, axis=-1, keepdims=True)
    minval = const - maxdots
    code = jax.lax.broadcasted_iota(jnp.int32, (tb, M_CODES), 1)
    idx_ref[...] = jnp.min(jnp.where(dots >= maxdots, code, M_CODES),
                           axis=-1, keepdims=True)

    contrib = jnp.sum(minval * m_ref[...], axis=(0, 1),
                      keepdims=True) * (0.25 * inv_b)

    @pl.when(pl.program_id(0) == 0)
    def _zero():
        loss_ref[...] = jnp.zeros_like(loss_ref)

    loss_ref[...] += contrib


def _sc_gather_call(table, idx_flat):
    n = idx_flat.shape[0]
    d = table.shape[1]
    info = plsc.get_sparse_core_info()
    nc, ns = info.num_cores, info.num_subcores
    nw = nc * ns
    b_per_w = n // nw
    mesh = plsc.VectorSubcoreMesh(core_axis_name="c", subcore_axis_name="s")

    @functools.partial(
        pl.kernel, mesh=mesh,
        out_type=jax.ShapeDtypeStruct((n, d), jnp.float32),
        scratch_types=[
            pltpu.VMEM((b_per_w,), jnp.int32),
            pltpu.VMEM((b_per_w, d), jnp.float32),
            pltpu.SemaphoreType.DMA,
        ],
    )
    def gather(table_hbm, idx_hbm, out_hbm, idx_v, rows_v, sem):
        wid = lax.axis_index("s") * nc + lax.axis_index("c")
        base = wid * b_per_w
        pltpu.sync_copy(idx_hbm.at[pl.ds(base, b_per_w)], idx_v)
        pltpu.async_copy(table_hbm.at[idx_v], rows_v, sem).wait()
        pltpu.sync_copy(rows_v, out_hbm.at[pl.ds(base, b_per_w)])

    return gather(table, idx_flat)


def _tc_call(xf, mf, W1, ln_g, ln_b, W2, b2, embedding, B):
    N, Cin = xf.shape
    Ch = W1.shape[0]
    M, D = embedding.shape
    nblk = N // TOKEN_BLOCK
    grid = (nblk,)

    return pl.pallas_call(
        functools.partial(_fused_kernel, inv_b=1.0 / B),
        grid=grid,
        in_specs=[
            pl.BlockSpec((TOKEN_BLOCK, Cin), lambda i: (i, 0)),
            pl.BlockSpec((TOKEN_BLOCK, 1), lambda i: (i, 0)),
            pl.BlockSpec((Cin, Ch), lambda i: (0, 0)),
            pl.BlockSpec((1, Ch), lambda i: (0, 0)),
            pl.BlockSpec((1, Ch), lambda i: (0, 0)),
            pl.BlockSpec((Ch, D), lambda i: (0, 0)),
            pl.BlockSpec((1, D), lambda i: (0, 0)),
            pl.BlockSpec((M, D), lambda i: (0, 0)),
        ],
        out_specs=[
            pl.BlockSpec((TOKEN_BLOCK, D), lambda i: (i, 0)),
            pl.BlockSpec((TOKEN_BLOCK, 1), lambda i: (i, 0)),
            pl.BlockSpec((1, 1), lambda i: (0, 0)),
        ],
        out_shape=[
            jax.ShapeDtypeStruct((N, D), jnp.float32),
            jax.ShapeDtypeStruct((N, 1), jnp.int32),
            jax.ShapeDtypeStruct((1, 1), jnp.float32),
        ],
        compiler_params=pltpu.CompilerParams(
            dimension_semantics=("arbitrary",)),
    )(xf, mf, W1.T, ln_g.reshape(1, Ch), ln_b.reshape(1, Ch),
      W2.T, b2.reshape(1, D), embedding)


def kernel(x, masks, W1, ln_g, ln_b, W2, b2, embedding):
    B, T, Cin = x.shape
    M, D = embedding.shape
    N = B * T
    xf = x.reshape(N, Cin)
    mf = masks.reshape(N, 1)
    half = N // 2

    z1, idx1, loss1 = _tc_call(xf[:half], mf[:half],
                               W1, ln_g, ln_b, W2, b2, embedding, B)
    emb_pad = jnp.pad(embedding, ((0, 0), (0, 128 - D)))
    q1 = _sc_gather_call(emb_pad, idx1.reshape(half))
    z2, idx2, loss2 = _tc_call(xf[half:], mf[half:],
                               W1, ln_g, ln_b, W2, b2, embedding, B)
    q2 = _sc_gather_call(emb_pad, idx2.reshape(half))

    z = jnp.concatenate([z1, z2], axis=0).reshape(B, T, D)
    q = jnp.concatenate([q1[:, :D], q2[:, :D]], axis=0).reshape(B, T, D)
    loss = (loss1 + loss2).reshape(())
    return (z, q, loss)

# --- scband reference (transcript-rebuilt; emitter-appended) ---
"""Pipeline reference for scband-multi-head-info-quantizer-8048768713194 (READ-ONLY COPY).

The authoritative reference and input builder live on the scoring server;
editing this copy changes nothing except your own understanding.
"""

import jax, jax.numpy as jnp
import numpy as np

Z_DIMS = (32, 32)

def setup_inputs(seed: int = 0) -> dict:
    key = jax.random.key(seed)
    ks = jax.random.split(key, 8)
    B, T, Cin, Ch, M = 8, 2048, 256, 256, 1024
    D = sum(Z_DIMS)
    x = jax.random.normal(ks[0], (B, T, Cin), dtype=jnp.float32)
    masks = jnp.ones((B, T), dtype=jnp.float32)
    W1 = jax.random.normal(ks[1], (Ch, Cin), dtype=jnp.float32) * (1.0 / np.sqrt(Cin))
    ln_g = jnp.ones((Ch,), dtype=jnp.float32)
    ln_b = jnp.zeros((Ch,), dtype=jnp.float32)
    W2 = jax.random.normal(ks[2], (D, Ch), dtype=jnp.float32) * (1.0 / np.sqrt(Ch))
    b2 = jnp.zeros((D,), dtype=jnp.float32)
    # codebook init: concat of Dirichlet(alpha=100) per z_dim segment (rows sum to 1 per segment)
    parts = []
    for i, zd in enumerate(Z_DIMS):
        alpha = jnp.full((zd,), 100.0, dtype=jnp.float32)
        parts.append(jax.random.dirichlet(ks[3 + i], alpha, shape=(M,)))
    embedding = jnp.concatenate(parts, axis=-1).astype(jnp.float32)
    return {"x": x, "masks": masks, "W1": W1, "ln_g": ln_g, "ln_b": ln_b, "W2": W2, "b2": b2, "embedding": embedding}

def _forward(x, masks, W1, ln_g, ln_b, W2, b2, embedding):
    # encoder: Linear(no bias) -> LayerNorm -> ReLU -> Linear
    h = jnp.einsum('btc,dc->btd', x, W1)
    mu = jnp.mean(h, axis=-1, keepdims=True)
    var = jnp.mean((h - mu) ** 2, axis=-1, keepdims=True)
    h = (h - mu) / jnp.sqrt(var + 1e-5) * ln_g + ln_b
    h = jax.nn.relu(h)
    z = jnp.einsum('btc,dc->btd', h, W2) + b2
    # per-head log_softmax, concat -> p (log-probs)
    ps = []
    s = 0
    for zd in Z_DIMS:
        ps.append(jax.nn.log_softmax(z[:, :, s:s + zd], axis=-1))
        s += zd
    p = jnp.concatenate(ps, axis=-1)
    M, D = embedding.shape
    x_flat = jax.lax.stop_gradient(p).reshape(-1, D)
    # KL(target=x_flat || input=embedding): sum_d exp(t)*(t - log(e))
    # decomposed exactly: sum_d exp(t)*t  -  exp(t) @ log(e)^T  (same math, avoids NxMxD temp)
    et = jnp.exp(x_flat)
    const = jnp.sum(et * x_flat, axis=-1)
    divergences = const[:, None] - et @ jnp.log(embedding).T
    indices = jnp.argmin(divergences.astype(jnp.float32), axis=-1)
    quantized = jnp.take(embedding, indices, axis=0).reshape(p.shape)
    # commitment loss: masked KL(target=p || input=quantized.detach())
    q_sg = jax.lax.stop_gradient(quantized)
    KL = jnp.exp(p) * (p - jnp.log(q_sg))
    e_latent_loss = jnp.sum(jnp.mean(jnp.sum(KL, axis=-1) * masks, axis=0))
    loss = 0.25 * e_latent_loss
    # straight-through
    q = p + jax.lax.stop_gradient(quantized - p)
    return (z, q, loss)

def reference(x, masks, W1, ln_g, ln_b, W2, b2, embedding):
    return _forward(x, masks, W1, ln_g, ln_b, W2, b2, embedding)

if __name__ == "__main__":
    import jax
    _d = setup_inputs()
    print(jax.jit(kernel)(*tuple(_d.values())))

</pallas_src>

<mosaic_0001>
#map = affine_map<(d0, d1) -> (0, 0)>
#map1 = affine_map<(d0, d1) -> (0)>
module attributes {stable_mosaic.version = 14 : i64} {
  func.func @gather(%arg0: i32, %arg1: i32, %arg2: memref<1024x128xf32, #tpu.memory_space<hbm>>, %arg3: memref<8192xi32, #tpu.memory_space<hbm>>, %arg4: memref<8192x128xf32, #tpu.memory_space<hbm>>, %arg5: memref<256xi32, #tpu.memory_space<vmem>>, %arg6: memref<256x128xf32, #tpu.memory_space<vmem>>, %arg7: memref<!tpu.dma_semaphore, #tpu.memory_space<semaphore_mem>>) attributes {dimension_semantics = [#tpu.dimension_semantics<core_parallel>, #tpu.dimension_semantics<subcore_parallel>], iteration_bounds = array<i64: 2, 16>, scalar_prefetch = 0 : i64, scratch_operands = 3 : i64, tpu.core_type = #tpu.core_type<sc_vector_subcore>, window_params = [{transform_indices = #map}, {transform_indices = #map1}, {transform_indices = #map}]} {
    %mul3A = arith.constant 2 : i32
    %mul3A_0 = arith.muli %arg1, %mul3A : i32
    %add3A = arith.addi %mul3A_0, %arg0 : i32
    %mul3A_1 = arith.constant 256 : i32
    %mul3A_2 = arith.muli %add3A, %mul3A_1 : i32
    "tpu.region"() ({
      %run_scoped3A = tpu.sem_alloc : memref<!tpu.dma_semaphore, #tpu.memory_space<semaphore_mem>>
      %dma_start3A_7 = tpu.memref_slice %arg3[%mul3A_2] : memref<8192xi32, #tpu.memory_space<hbm>> -> memref<256xi32, #tpu.memory_space<hbm>>
      %dma_start3A_8 = tpu.memref_slice %arg3[%mul3A_2] : memref<8192xi32, #tpu.memory_space<hbm>> -> memref<256xi32, #tpu.memory_space<hbm>>
      tpu.enqueue_dma source(%dma_start3A_8 : memref<256xi32, #tpu.memory_space<hbm>>) target(%arg5 : memref<256xi32, #tpu.memory_space<vmem>>) target_semaphore(%run_scoped3A : memref<!tpu.dma_semaphore, #tpu.memory_space<semaphore_mem>>)
      %dma_wait3A_9 = tpu.memref_slice %arg3[%mul3A_2] : memref<8192xi32, #tpu.memory_space<hbm>> -> memref<256xi32, #tpu.memory_space<hbm>>
      %dma_wait3A_10 = tpu.memref_slice %arg3[%mul3A_2] : memref<8192xi32, #tpu.memory_space<hbm>> -> memref<256xi32, #tpu.memory_space<hbm>>
      tpu.wait_dma2 semaphore(%run_scoped3A : memref<!tpu.dma_semaphore, #tpu.memory_space<semaphore_mem>>) src(%dma_wait3A_10 : memref<256xi32, #tpu.memory_space<hbm>>) dst(%arg5 : memref<256xi32, #tpu.memory_space<vmem>>)
      tpu.yield
    }) : () -> ()
    %dma_start3A = arith.constant 0 : i32
    %dma_start3A_3 = arith.constant 0 : i32
    %dma_start3A_4 = tpu.memref_slice %arg2[%dma_start3A, %dma_start3A_3] : memref<1024x128xf32, #tpu.memory_space<hbm>> -> memref<1024x128xf32, #tpu.memory_space<hbm>>
    tpu.enqueue_indirect_dma source(%dma_start3A_4 : memref<1024x128xf32, #tpu.memory_space<hbm>>) target(%arg6 : memref<256x128xf32, #tpu.memory_space<vmem>>) offsets(%arg5 : memref<256xi32, #tpu.memory_space<vmem>>) semaphore(%arg7 : memref<!tpu.dma_semaphore, #tpu.memory_space<semaphore_mem>>)
    %dma_wait3A = arith.constant 0 : i32
    %dma_wait3A_5 = arith.constant 0 : i32
    %dma_wait3A_6 = tpu.memref_slice %arg2[%dma_wait3A, %dma_wait3A_5] : memref<1024x128xf32, #tpu.memory_space<hbm>> -> memref<1024x128xf32, #tpu.memory_space<hbm>>
    tpu.wait_indirect_dma semaphore(%arg7 : memref<!tpu.dma_semaphore, #tpu.memory_space<semaphore_mem>>) src(%dma_wait3A_6 : memref<1024x128xf32, #tpu.memory_space<hbm>>) dst(%arg6 : memref<256x128xf32, #tpu.memory_space<vmem>>)
    "tpu.region"() ({
      %run_scoped3A = tpu.sem_alloc : memref<!tpu.dma_semaphore, #tpu.memory_space<semaphore_mem>>
      %dma_start3A_7 = arith.constant 0 : i32
      %dma_start3A_8 = tpu.memref_slice %arg4[%mul3A_2, %dma_start3A_7] : memref<8192x128xf32, #tpu.memory_space<hbm>> -> memref<256x128xf32, #tpu.memory_space<hbm>>
      %dma_start3A_9 = arith.constant 0 : i32
      %dma_start3A_10 = tpu.memref_slice %arg4[%mul3A_2, %dma_start3A_9] : memref<8192x128xf32, #tpu.memory_space<hbm>> -> memref<256x128xf32, #tpu.memory_space<hbm>>
      tpu.enqueue_dma source(%arg6 : memref<256x128xf32, #tpu.memory_space<vmem>>) target(%dma_start3A_10 : memref<256x128xf32, #tpu.memory_space<hbm>>) target_semaphore(%run_scoped3A : memref<!tpu.dma_semaphore, #tpu.memory_space<semaphore_mem>>)
      %dma_wait3A_11 = arith.constant 0 : i32
      %dma_wait3A_12 = tpu.memref_slice %arg4[%mul3A_2, %dma_wait3A_11] : memref<8192x128xf32, #tpu.memory_space<hbm>> -> memref<256x128xf32, #tpu.memory_space<hbm>>
      %dma_wait3A_13 = arith.constant 0 : i32
      %dma_wait3A_14 = tpu.memref_slice %arg4[%mul3A_2, %dma_wait3A_13] : memref<8192x128xf32, #tpu.memory_space<hbm>> -> memref<256x128xf32, #tpu.memory_space<hbm>>
      tpu.wait_dma2 semaphore(%run_scoped3A : memref<!tpu.dma_semaphore, #tpu.memory_space<semaphore_mem>>) src(%arg6 : memref<256x128xf32, #tpu.memory_space<vmem>>) dst(%dma_wait3A_14 : memref<256x128xf32, #tpu.memory_space<hbm>>)
      tpu.yield
    }) : () -> ()
    return
  }
}

#map = affine_map<(d0, d1) -> (0, 0)>
#map1 = affine_map<(d0, d1) -> (0)>
module attributes {stable_mosaic.version = 14 : i64} {
  func.func @gather(%arg0: i32, %arg1: i32, %arg2: memref<1024x128xf32, #tpu.memory_space<hbm>>, %arg3: memref<8192xi32, #tpu.memory_space<hbm>>, %arg4: memref<8192x128xf32, #tpu.memory_space<hbm>>, %arg5: memref<256xi32, #tpu.memory_space<vmem>>, %arg6: memref<256x128xf32, #tpu.memory_space<vmem>>, %arg7: memref<!tpu.dma_semaphore, #tpu.memory_space<semaphore_mem>>) attributes {dimension_semantics = [#tpu.dimension_semantics<core_parallel>, #tpu.dimension_semantics<subcore_parallel>], iteration_bounds = array<i64: 2, 16>, scalar_prefetch = 0 : i64, scratch_operands = 3 : i64, tpu.core_type = #tpu.core_type<sc_vector_subcore>, window_params = [{transform_indices = #map}, {transform_indices = #map1}, {transform_indices = #map}]} {
    %mul3A = arith.constant 2 : i32
    %mul3A_0 = arith.muli %arg1, %mul3A : i32
    %add3A = arith.addi %mul3A_0, %arg0 : i32
    %mul3A_1 = arith.constant 256 : i32
    %mul3A_2 = arith.muli %add3A, %mul3A_1 : i32
    "tpu.region"() ({
      %run_scoped3A = tpu.sem_alloc : memref<!tpu.dma_semaphore, #tpu.memory_space<semaphore_mem>>
      %dma_start3A_7 = tpu.memref_slice %arg3[%mul3A_2] : memref<8192xi32, #tpu.memory_space<hbm>> -> memref<256xi32, #tpu.memory_space<hbm>>
      %dma_start3A_8 = tpu.memref_slice %arg3[%mul3A_2] : memref<8192xi32, #tpu.memory_space<hbm>> -> memref<256xi32, #tpu.memory_space<hbm>>
      tpu.enqueue_dma source(%dma_start3A_8 : memref<256xi32, #tpu.memory_space<hbm>>) target(%arg5 : memref<256xi32, #tpu.memory_space<vmem>>) target_semaphore(%run_scoped3A : memref<!tpu.dma_semaphore, #tpu.memory_space<semaphore_mem>>)
      %dma_wait3A_9 = tpu.memref_slice %arg3[%mul3A_2] : memref<8192xi32, #tpu.memory_space<hbm>> -> memref<256xi32, #tpu.memory_space<hbm>>
      %dma_wait3A_10 = tpu.memref_slice %arg3[%mul3A_2] : memref<8192xi32, #tpu.memory_space<hbm>> -> memref<256xi32, #tpu.memory_space<hbm>>
      tpu.wait_dma2 semaphore(%run_scoped3A : memref<!tpu.dma_semaphore, #tpu.memory_space<semaphore_mem>>) src(%dma_wait3A_10 : memref<256xi32, #tpu.memory_space<hbm>>) dst(%arg5 : memref<256xi32, #tpu.memory_space<vmem>>)
      tpu.yield
    }) : () -> ()
    %dma_start3A = arith.constant 0 : i32
    %dma_start3A_3 = arith.constant 0 : i32
    %dma_start3A_4 = tpu.memref_slice %arg2[%dma_start3A, %dma_start3A_3] : memref<1024x128xf32, #tpu.memory_space<hbm>> -> memref<1024x128xf32, #tpu.memory_space<hbm>>
    tpu.enqueue_indirect_dma source(%dma_start3A_4 : memref<1024x128xf32, #tpu.memory_space<hbm>>) target(%arg6 : memref<256x128xf32, #tpu.memory_space<vmem>>) offsets(%arg5 : memref<256xi32, #tpu.memory_space<vmem>>) semaphore(%arg7 : memref<!tpu.dma_semaphore, #tpu.memory_space<semaphore_mem>>)
    %dma_wait3A = arith.constant 0 : i32
    %dma_wait3A_5 = arith.constant 0 : i32
    %dma_wait3A_6 = tpu.memref_slice %arg2[%dma_wait3A, %dma_wait3A_5] : memref<1024x128xf32, #tpu.memory_space<hbm>> -> memref<1024x128xf32, #tpu.memory_space<hbm>>
    tpu.wait_indirect_dma semaphore(%arg7 : memref<!tpu.dma_semaphore, #tpu.memory_space<semaphore_mem>>) src(%dma_wait3A_6 : memref<1024x128xf32, #tpu.memory_space<hbm>>) dst(%arg6 : memref<256x128xf32, #tpu.memory_space<vmem>>)
    "tpu.region"() ({
      %run_scoped3A = tpu.sem_alloc : memref<!tpu.dma_semaphore, #tpu.memory_space<semaphore_mem>>
      %dma_start3A_7 = arith.constant 0 : i32
      %dma_start3A_8 = tpu.memref_slice %arg4[%mul3A_2, %dma_start3A_7] : memref<8192x128xf32, #tpu.memory_space<hbm>> -> memref<256x128xf32, #tpu.memory_space<hbm>>
      %dma_start3A_9 = arith.constant 0 : i32
      %dma_start3A_10 = tpu.memref_slice %arg4[%mul3A_2, %dma_start3A_9] : memref<8192x128xf32, #tpu.memory_space<hbm>> -> memref<256x128xf32, #tpu.memory_space<hbm>>
      tpu.enqueue_dma source(%arg6 : memref<256x128xf32, #tpu.memory_space<vmem>>) target(%dma_start3A_10 : memref<256x128xf32, #tpu.memory_space<hbm>>) target_semaphore(%run_scoped3A : memref<!tpu.dma_semaphore, #tpu.memory_space<semaphore_mem>>)
      %dma_wait3A_11 = arith.constant 0 : i32
      %dma_wait3A_12 = tpu.memref_slice %arg4[%mul3A_2, %dma_wait3A_11] : memref<8192x128xf32, #tpu.memory_space<hbm>> -> memref<256x128xf32, #tpu.memory_space<hbm>>
      %dma_wait3A_13 = arith.constant 0 : i32
      %dma_wait3A_14 = tpu.memref_slice %arg4[%mul3A_2, %dma_wait3A_13] : memref<8192x128xf32, #tpu.memory_space<hbm>> -> memref<256x128xf32, #tpu.memory_space<hbm>>
      tpu.wait_dma2 semaphore(%run_scoped3A : memref<!tpu.dma_semaphore, #tpu.memory_space<semaphore_mem>>) src(%arg6 : memref<256x128xf32, #tpu.memory_space<vmem>>) dst(%dma_wait3A_14 : memref<256x128xf32, #tpu.memory_space<hbm>>)
      tpu.yield
    }) : () -> ()
    return
  }
}

module attributes {stable_mosaic.version = 14 : i64} {
  func.func @_fused_kernel(%arg0: i32, %arg1: memref<4096x256xf32, #tpu.memory_space<vmem>>, %arg2: memref<4096x1xf32, #tpu.memory_space<vmem>>, %arg3: memref<256x256xf32, #tpu.memory_space<vmem>>, %arg4: memref<1x256xf32, #tpu.memory_space<vmem>>, %arg5: memref<1x256xf32, #tpu.memory_space<vmem>>, %arg6: memref<256x64xf32, #tpu.memory_space<vmem>>, %arg7: memref<1x64xf32, #tpu.memory_space<vmem>>, %arg8: memref<1024x64xf32, #tpu.memory_space<vmem>>, %arg9: memref<4096x64xf32, #tpu.memory_space<vmem>>, %arg10: memref<4096x1xi32, #tpu.memory_space<vmem>>, %arg11: memref<1x1xf32, #tpu.memory_space<vmem>>) attributes {dimension_semantics = [#tpu.dimension_semantics<arbitrary>], iteration_bounds = array<i64: 2>, scalar_prefetch = 0 : i64, scratch_operands = 0 : i64, tpu.core_type = #tpu.core_type<tc>, window_params = [{transform_indices = @transform_0, window_bounds = array<i64: 4096, 256>}, {transform_indices = @transform_1, window_bounds = array<i64: 4096, 1>}, {pipeline_mode = #tpu.pipeline_mode<synchronous>, transform_indices = @transform_2, window_bounds = array<i64: 256, 256>}, {pipeline_mode = #tpu.pipeline_mode<synchronous>, transform_indices = @transform_3, window_bounds = array<i64: 1, 256>}, {pipeline_mode = #tpu.pipeline_mode<synchronous>, transform_indices = @transform_4, window_bounds = array<i64: 1, 256>}, {pipeline_mode = #tpu.pipeline_mode<synchronous>, transform_indices = @transform_5, window_bounds = array<i64: 256, 64>}, {pipeline_mode = #tpu.pipeline_mode<synchronous>, transform_indices = @transform_6, window_bounds = array<i64: 1, 64>}, {pipeline_mode = #tpu.pipeline_mode<synchronous>, transform_indices = @transform_7, window_bounds = array<i64: 1024, 64>}, {transform_indices = @transform_8, window_bounds = array<i64: 4096, 64>}, {transform_indices = @transform_9, window_bounds = array<i64: 4096, 1>}, {pipeline_mode = #tpu.pipeline_mode<synchronous>, transform_indices = @transform_10, window_bounds = array<i64: 1, 1>}]} {
    %get3A = arith.constant 0 : index
    %get3A_0 = arith.constant 0 : index
    %get3A_1 = vector.load %arg1[%get3A, %get3A_0] : memref<4096x256xf32, #tpu.memory_space<vmem>>, vector<4096x256xf32>
    %get3A_2 = arith.constant 0 : index
    %get3A_3 = arith.constant 0 : index
    %get3A_4 = vector.load %arg3[%get3A_2, %get3A_3] : memref<256x256xf32, #tpu.memory_space<vmem>>, vector<256x256xf32>
    %dot_general3A = arith.constant dense<0.000000e+00> : vector<4096x256xf32>
    %dot_general3A_5 = tpu.matmul %get3A_1, %get3A_4, %dot_general3A {dimension_numbers = #tpu.dot_dimension_numbers<[1], [0], [0], [1], [0, 0, 1, 1], [], []>, transpose_lhs_hint = false} : vector<4096x256xf32>, vector<256x256xf32>, vector<4096x256xf32> -> vector<4096x256xf32>
    %reduce_sum3A = arith.constant dense<0.000000e+00> : vector<4096xf32>
    %reduce_sum3A_6 = vector.multi_reduction <add>, %dot_general3A_5, %reduce_sum3A [1] : vector<4096x256xf32> to vector<4096xf32>
    %broadcast_in_dim3A = vector.shape_cast %reduce_sum3A_6 : vector<4096xf32> to vector<4096x1xf32>
    %div3A = arith.constant 2.560000e+02 : f32
    %div3A_7 = vector.broadcast %div3A : f32 to vector<4096x1xf32>
    %div3A_8 = arith.divf %broadcast_in_dim3A, %div3A_7 : vector<4096x1xf32>
    %sub3A = vector.broadcast %div3A_8 : vector<4096x1xf32> to vector<4096x256xf32>
    %sub3A_9 = arith.subf %dot_general3A_5, %sub3A : vector<4096x256xf32>
    %integer_pow3A = arith.mulf %sub3A_9, %sub3A_9 : vector<4096x256xf32>
    %reduce_sum3A_10 = arith.constant dense<0.000000e+00> : vector<4096xf32>
    %reduce_sum3A_11 = vector.multi_reduction <add>, %integer_pow3A, %reduce_sum3A_10 [1] : vector<4096x256xf32> to vector<4096xf32>
    %broadcast_in_dim3A_12 = vector.shape_cast %reduce_sum3A_11 : vector<4096xf32> to vector<4096x1xf32>
    %div3A_13 = arith.constant 2.560000e+02 : f32
    %div3A_14 = vector.broadcast %div3A_13 : f32 to vector<4096x1xf32>
    %div3A_15 = arith.divf %broadcast_in_dim3A_12, %div3A_14 : vector<4096x1xf32>
    %sub3A_16 = vector.broadcast %div3A_8 : vector<4096x1xf32> to vector<4096x256xf32>
    %sub3A_17 = arith.subf %dot_general3A_5, %sub3A_16 : vector<4096x256xf32>
    %add3A = arith.constant 9.99999974E-6 : f32
    %add3A_18 = vector.broadcast %add3A : f32 to vector<4096x1xf32>
    %add3A_19 = arith.addf %div3A_15, %add3A_18 : vector<4096x1xf32>
    %rsqrt3A = math.rsqrt %add3A_19 : vector<4096x1xf32>
    %mul3A = vector.broadcast %rsqrt3A : vector<4096x1xf32> to vector<4096x256xf32>
    %mul3A_20 = arith.mulf %sub3A_17, %mul3A : vector<4096x256xf32>
    %get3A_21 = arith.constant 0 : index
    %get3A_22 = arith.constant 0 : index
    %get3A_23 = vector.load %arg4[%get3A_21, %get3A_22] : memref<1x256xf32, #tpu.memory_space<vmem>>, vector<1x256xf32>
    %mul3A_24 = vector.broadcast %get3A_23 : vector<1x256xf32> to vector<4096x256xf32>
    %mul3A_25 = arith.mulf %mul3A_20, %mul3A_24 : vector<4096x256xf32>
    %get3A_26 = arith.constant 0 : index
    %get3A_27 = arith.constant 0 : index
    %get3A_28 = vector.load %arg5[%get3A_26, %get3A_27] : memref<1x256xf32, #tpu.memory_space<vmem>>, vector<1x256xf32>
    %add3A_29 = vector.broadcast %get3A_28 : vector<1x256xf32> to vector<4096x256xf32>
    %add3A_30 = arith.addf %mul3A_25, %add3A_29 : vector<4096x256xf32>
    %max3A = arith.constant 0.000000e+00 : f32
    %max3A_31 = vector.broadcast %max3A : f32 to vector<4096x256xf32>
    %max3A_32 = arith.maximumf %add3A_30, %max3A_31 : vector<4096x256xf32>
    %get3A_33 = arith.constant 0 : index
    %get3A_34 = arith.constant 0 : index
    %get3A_35 = vector.load %arg6[%get3A_33, %get3A_34] : memref<256x64xf32, #tpu.memory_space<vmem>>, vector<256x64xf32>
    %dot_general3A_36 = arith.constant dense<0.000000e+00> : vector<4096x64xf32>
    %dot_general3A_37 = tpu.matmul %max3A_32, %get3A_35, %dot_general3A_36 {dimension_numbers = #tpu.dot_dimension_numbers<[1], [0], [0], [1], [0, 0, 1, 1], [], []>, transpose_lhs_hint = false} : vector<4096x256xf32>, vector<256x64xf32>, vector<4096x64xf32> -> vector<4096x64xf32>
    %get3A_38 = arith.constant 0 : index
    %get3A_39 = arith.constant 0 : index
    %get3A_40 = vector.load %arg7[%get3A_38, %get3A_39] : memref<1x64xf32, #tpu.memory_space<vmem>>, vector<1x64xf32>
    %add3A_41 = vector.broadcast %get3A_40 : vector<1x64xf32> to vector<4096x64xf32>
    %add3A_42 = arith.addf %dot_general3A_37, %add3A_41 : vector<4096x64xf32>
    %swap3A = arith.constant 0 : index
    %swap3A_43 = arith.constant 0 : index
    %swap3A_44 = vector.load %arg9[%swap3A, %swap3A_43] : memref<4096x64xf32, #tpu.memory_space<vmem>>, vector<4096x64xf32>
    tpu.vector_store %arg9[%swap3A, %swap3A_43], %add3A_42 {strides = array<i32>} : memref<4096x64xf32, #tpu.memory_space<vmem>>, vector<4096x64xf32>,
    %iota3A = tpu.iota {dimensions = array<i32: 1>} : vector<4096x64xi32>
    %lt3A = arith.constant 32 : i32
    %lt3A_45 = vector.broadcast %lt3A : i32 to vector<4096x64xi32>
    %lt3A_46 = arith.cmpi slt, %iota3A, %lt3A_45 : vector<4096x64xi32>
    %jit3A = arith.constant 0xFF800000 : f32
    %broadcast_in_dim3A_47 = vector.broadcast %jit3A : f32 to vector<4096x64xf32>
    %select_n3A = arith.select %lt3A_46, %add3A_42, %broadcast_in_dim3A_47 : vector<4096x64xi1>, vector<4096x64xf32>
    %reduce_max3A = arith.constant dense<0xFF800000> : vector<4096xf32>
    %reduce_max3A_48 = vector.multi_reduction <maximumf>, %select_n3A, %reduce_max3A [1] : vector<4096x64xf32> to vector<4096xf32>
    %broadcast_in_dim3A_49 = vector.shape_cast %reduce_max3A_48 : vector<4096xf32> to vector<4096x1xf32>
    %jit3A_50 = arith.constant 0xFF800000 : f32
    %broadcast_in_dim3A_51 = vector.broadcast %jit3A_50 : f32 to vector<4096x64xf32>
    %select_n3A_52 = arith.select %lt3A_46, %broadcast_in_dim3A_51, %add3A_42 : vector<4096x64xi1>, vector<4096x64xf32>
    %reduce_max3A_53 = arith.constant dense<0xFF800000> : vector<4096xf32>
    %reduce_max3A_54 = vector.multi_reduction <maximumf>, %select_n3A_52, %reduce_max3A_53 [1] : vector<4096x64xf32> to vector<4096xf32>
    %broadcast_in_dim3A_55 = vector.shape_cast %reduce_max3A_54 : vector<4096xf32> to vector<4096x1xf32>
    %broadcast_in_dim3A_56 = vector.shape_cast %broadcast_in_dim3A_49 : vector<4096x1xf32> to vector<4096x1xf32>
    %broadcast_in_dim3A_57 = vector.broadcast %broadcast_in_dim3A_56 : vector<4096x1xf32> to vector<4096x64xf32>
    %broadcast_in_dim3A_58 = vector.shape_cast %broadcast_in_dim3A_55 : vector<4096x1xf32> to vector<4096x1xf32>
    %broadcast_in_dim3A_59 = vector.broadcast %broadcast_in_dim3A_58 : vector<4096x1xf32> to vector<4096x64xf32>
    %select_n3A_60 = arith.select %lt3A_46, %broadcast_in_dim3A_57, %broadcast_in_dim3A_59 : vector<4096x64xi1>, vector<4096x64xf32>
    %sub3A_61 = arith.subf %add3A_42, %select_n3A_60 : vector<4096x64xf32>
    %exp3A = math.exp %sub3A_61 : vector<4096x64xf32>
    %jit3A_62 = arith.constant 0.000000e+00 : f32
    %broadcast_in_dim3A_63 = vector.broadcast %jit3A_62 : f32 to vector<4096x64xf32>
    %select_n3A_64 = arith.select %lt3A_46, %exp3A, %broadcast_in_dim3A_63 : vector<4096x64xi1>, vector<4096x64xf32>
    %reduce_sum3A_65 = arith.constant dense<0.000000e+00> : vector<4096xf32>
    %reduce_sum3A_66 = vector.multi_reduction <add>, %select_n3A_64, %reduce_sum3A_65 [1] : vector<4096x64xf32> to vector<4096xf32>
    %broadcast_in_dim3A_67 = vector.shape_cast %reduce_sum3A_66 : vector<4096xf32> to vector<4096x1xf32>
    %jit3A_68 = arith.constant 0.000000e+00 : f32
    %broadcast_in_dim3A_69 = vector.broadcast %jit3A_68 : f32 to vector<4096x64xf32>
    %select_n3A_70 = arith.select %lt3A_46, %broadcast_in_dim3A_69, %exp3A : vector<4096x64xi1>, vector<4096x64xf32>
    %reduce_sum3A_71 = arith.constant dense<0.000000e+00> : vector<4096xf32>
    %reduce_sum3A_72 = vector.multi_reduction <add>, %select_n3A_70, %reduce_sum3A_71 [1] : vector<4096x64xf32> to vector<4096xf32>
    %broadcast_in_dim3A_73 = vector.shape_cast %reduce_sum3A_72 : vector<4096xf32> to vector<4096x1xf32>
    %div3A_74 = arith.constant 1.000000e+00 : f32
    %div3A_75 = vector.broadcast %div3A_74 : f32 to vector<4096x1xf32>
    %div3A_76 = arith.divf %div3A_75, %broadcast_in_dim3A_67 : vector<4096x1xf32>
    %div3A_77 = arith.constant 1.000000e+00 : f32
    %div3A_78 = vector.broadcast %div3A_77 : f32 to vector<4096x1xf32>
    %div3A_79 = arith.divf %div3A_78, %broadcast_in_dim3A_73 : vector<4096x1xf32>
    %broadcast_in_dim3A_80 = vector.shape_cast %div3A_76 : vector<4096x1xf32> to vector<4096x1xf32>
    %broadcast_in_dim3A_81 = vector.broadcast %broadcast_in_dim3A_80 : vector<4096x1xf32> to vector<4096x64xf32>
    %broadcast_in_dim3A_82 = vector.shape_cast %div3A_79 : vector<4096x1xf32> to vector<4096x1xf32>
    %broadcast_in_dim3A_83 = vector.broadcast %broadcast_in_dim3A_82 : vector<4096x1xf32> to vector<4096x64xf32>
    %select_n3A_84 = arith.select %lt3A_46, %broadcast_in_dim3A_81, %broadcast_in_dim3A_83 : vector<4096x64xi1>, vector<4096x64xf32>
    %mul3A_85 = arith.mulf %exp3A, %select_n3A_84 : vector<4096x64xf32>
    %mul3A_86 = arith.mulf %mul3A_85, %add3A_42 : vector<4096x64xf32>
    %reduce_sum3A_87 = arith.constant dense<0.000000e+00> : vector<4096xf32>
    %reduce_sum3A_88 = vector.multi_reduction <add>, %mul3A_86, %reduce_sum3A_87 [1] : vector<4096x64xf32> to vector<4096xf32>
    %broadcast_in_dim3A_89 = vector.shape_cast %reduce_sum3A_88 : vector<4096xf32> to vector<4096x1xf32>
    %sub3A_90 = arith.subf %broadcast_in_dim3A_89, %broadcast_in_dim3A_49 : vector<4096x1xf32>
    %log3A = math.log %broadcast_in_dim3A_67 : vector<4096x1xf32>
    %sub3A_91 = arith.subf %sub3A_90, %log3A : vector<4096x1xf32>
    %sub3A_92 = arith.subf %sub3A_91, %broadcast_in_dim3A_55 : vector<4096x1xf32>
    %log3A_93 = math.log %broadcast_in_dim3A_73 : vector<4096x1xf32>
    %sub3A_94 = arith.subf %sub3A_92, %log3A_93 : vector<4096x1xf32>
    %get3A_95 = arith.constant 0 : index
    %get3A_96 = arith.constant 0 : index
    %get3A_97 = vector.load %arg8[%get3A_95, %get3A_96] : memref<1024x64xf32, #tpu.memory_space<vmem>>, vector<1024x64xf32>
    %log3A_98 = math.log %get3A_97 : vector<1024x64xf32>
    %dot_general3A_99 = arith.constant dense<0.000000e+00> : vector<4096x1024xf32>
    %dot_general3A_100 = tpu.matmul %mul3A_85, %log3A_98, %dot_general3A_99 {dimension_numbers = #tpu.dot_dimension_numbers<[1], [1], [0], [0], [0, 0, 1, 0], [], []>, transpose_lhs_hint = false} : vector<4096x64xf32>, vector<1024x64xf32>, vector<4096x1024xf32> -> vector<4096x1024xf32>
    %reduce_max3A_101 = arith.constant dense<0xFF800000> : vector<4096xf32>
    %reduce_max3A_102 = vector.multi_reduction <maximumf>, %dot_general3A_100, %reduce_max3A_101 [1] : vector<4096x1024xf32> to vector<4096xf32>
    %broadcast_in_dim3A_103 = vector.shape_cast %reduce_max3A_102 : vector<4096xf32> to vector<4096x1xf32>
    %sub3A_104 = arith.subf %sub3A_94, %broadcast_in_dim3A_103 : vector<4096x1xf32>
    %iota3A_105 = tpu.iota {dimensions = array<i32: 1>} : vector<4096x1024xi32>
    %ge3A = vector.broadcast %broadcast_in_dim3A_103 : vector<4096x1xf32> to vector<4096x1024xf32>
    %ge3A_106 = arith.cmpf oge, %dot_general3A_100, %ge3A : vector<4096x1024xf32>
    %jit3A_107 = arith.constant 1024 : i32
    %broadcast_in_dim3A_108 = vector.broadcast %jit3A_107 : i32 to vector<4096x1024xi32>
    %select_n3A_109 = arith.select %ge3A_106, %iota3A_105, %broadcast_in_dim3A_108 : vector<4096x1024xi1>, vector<4096x1024xi32>
    %reduce_min3A = arith.constant dense<2147483647> : vector<4096xi32>
    %reduce_min3A_110 = vector.multi_reduction <minsi>, %select_n3A_109, %reduce_min3A [1] : vector<4096x1024xi32> to vector<4096xi32>
    %broadcast_in_dim3A_111 = vector.shape_cast %reduce_min3A_110 : vector<4096xi32> to vector<4096x1xi32>
    %swap3A_112 = arith.constant 0 : index
    %swap3A_113 = arith.constant 0 : index
    %swap3A_114 = vector.load %arg10[%swap3A_112, %swap3A_113] : memref<4096x1xi32, #tpu.memory_space<vmem>>, vector<4096x1xi32>
    tpu.vector_store %arg10[%swap3A_112, %swap3A_113], %broadcast_in_dim3A_111 {strides = array<i32>} : memref<4096x1xi32, #tpu.memory_space<vmem>>, vector<4096x1xi32>,
    %get3A_115 = arith.constant 0 : index
    %get3A_116 = arith.constant 0 : index
    %get3A_117 = vector.load %arg2[%get3A_115, %get3A_116] : memref<4096x1xf32, #tpu.memory_space<vmem>>, vector<4096x1xf32>
    %mul3A_118 = arith.mulf %sub3A_104, %get3A_117 : vector<4096x1xf32>
    %reduce_sum3A_119 = vector.shape_cast %mul3A_118 : vector<4096x1xf32> to vector<1x4096x1xf32>
    %reduce_sum3A_120 = arith.constant dense<0.000000e+00> : vector<1xf32>
    %reduce_sum3A_121 = vector.multi_reduction <add>, %reduce_sum3A_119, %reduce_sum3A_120 [1, 2] : vector<1x4096x1xf32> to vector<1xf32>
    %reduce_sum3A_122 = vector.shape_cast %reduce_sum3A_121 : vector<1xf32> to vector<1x1x1xf32>
    %reduce_sum3A_123 = vector.extract %reduce_sum3A_122[0, 0, 0] : f32 from vector<1x1x1xf32>
    %broadcast_in_dim3A_124 = vector.broadcast %reduce_sum3A_123 : f32 to vector<1x1xf32>
    %mul3A_125 = arith.constant 3.125000e-02 : f32
    %mul3A_126 = vector.broadcast %mul3A_125 : f32 to vector<1x1xf32>
    %mul3A_127 = arith.mulf %broadcast_in_dim3A_124, %mul3A_126 : vector<1x1xf32>
    %eq3A = arith.constant 0 : i32
    %eq3A_128 = arith.cmpi eq, %arg0, %eq3A : i32
    %convert_element_type3A = arith.extui %eq3A_128 : i1 to i32
    %cond3A = arith.constant 0 : i32
    %cond3A_129 = arith.cmpi ne, %convert_element_type3A, %cond3A : i32
    scf.if %cond3A_129 {
      %broadcast_in_dim3A_137 = arith.constant 0.000000e+00 : f32
      %broadcast_in_dim3A_138 = vector.broadcast %broadcast_in_dim3A_137 : f32 to vector<1x1xf32>
      %swap3A_139 = arith.constant 0 : index
      %swap3A_140 = arith.constant 0 : index
      %swap3A_141 = vector.load %arg11[%swap3A_139, %swap3A_140] : memref<1x1xf32, #tpu.memory_space<vmem>>, vector<1x1xf32>
      tpu.vector_store %arg11[%swap3A_139, %swap3A_140], %broadcast_in_dim3A_138 {strides = array<i32>} : memref<1x1xf32, #tpu.memory_space<vmem>>, vector<1x1xf32>,
    } else {
    }
    %get3A_130 = arith.constant 0 : index
    %get3A_131 = arith.constant 0 : index
    %get3A_132 = vector.load %arg11[%get3A_130, %get3A_131] : memref<1x1xf32, #tpu.memory_space<vmem>>, vector<1x1xf32>
    %add3A_133 = arith.addf %get3A_132, %mul3A_127 : vector<1x1xf32>
    %swap3A_134 = arith.constant 0 : index
    %swap3A_135 = arith.constant 0 : index
    %swap3A_136 = vector.load %arg11[%swap3A_134, %swap3A_135] : memref<1x1xf32, #tpu.memory_space<vmem>>, vector<1x1xf32>
    tpu.vector_store %arg11[%swap3A_134, %swap3A_135], %add3A_133 {strides = array<i32>} : memref<1x1xf32, #tpu.memory_space<vmem>>, vector<1x1xf32>,
    return
  }
  func.func @transform_0(%arg0: i32) -> (i32, i32) {
    %c0_i32 = arith.constant 0 : i32
    %c0_i32_0 = arith.constant 0 : i32
    return %arg0, %c0_i32 : i32, i32
  }
  func.func @transform_1(%arg0: i32) -> (i32, i32) {
    %c0_i32 = arith.constant 0 : i32
    %c0_i32_0 = arith.constant 0 : i32
    return %arg0, %c0_i32 : i32, i32
  }
  func.func @transform_2(%arg0: i32) -> (i32, i32) {
    %c0_i32 = arith.constant 0 : i32
    %c0_i32_0 = arith.constant 0 : i32
    %c0_i32_1 = arith.constant 0 : i32
    return %c0_i32, %c0_i32_0 : i32, i32
  }
  func.func @transform_3(%arg0: i32) -> (i32, i32) {
    %c0_i32 = arith.constant 0 : i32
    %c0_i32_0 = arith.constant 0 : i32
    %c0_i32_1 = arith.constant 0 : i32
    return %c0_i32, %c0_i32_0 : i32, i32
  }
  func.func @transform_4(%arg0: i32) -> (i32, i32) {
    %c0_i32 = arith.constant 0 : i32
    %c0_i32_0 = arith.constant 0 : i32
    %c0_i32_1 = arith.constant 0 : i32
    return %c0_i32, %c0_i32_0 : i32, i32
  }
  func.func @transform_5(%arg0: i32) -> (i32, i32) {
    %c0_i32 = arith.constant 0 : i32
    %c0_i32_0 = arith.constant 0 : i32
    %c0_i32_1 = arith.constant 0 : i32
    return %c0_i32, %c0_i32_0 : i32, i32
  }
  func.func @transform_6(%arg0: i32) -> (i32, i32) {
    %c0_i32 = arith.constant 0 : i32
    %c0_i32_0 = arith.constant 0 : i32
    %c0_i32_1 = arith.constant 0 : i32
    return %c0_i32, %c0_i32_0 : i32, i32
  }
  func.func @transform_7(%arg0: i32) -> (i32, i32) {
    %c0_i32 = arith.constant 0 : i32
    %c0_i32_0 = arith.constant 0 : i32
    %c0_i32_1 = arith.constant 0 : i32
    return %c0_i32, %c0_i32_0 : i32, i32
  }
  func.func @transform_8(%arg0: i32) -> (i32, i32) {
    %c0_i32 = arith.constant 0 : i32
    %c0_i32_0 = arith.constant 0 : i32
    return %arg0, %c0_i32 : i32, i32
  }
  func.func @transform_9(%arg0: i32) -> (i32, i32) {
    %c0_i32 = arith.constant 0 : i32
    %c0_i32_0 = arith.constant 0 : i32
    return %arg0, %c0_i32 : i32, i32
  }
  func.func @transform_10(%arg0: i32) -> (i32, i32) {
    %c0_i32 = arith.constant 0 : i32
    %c0_i32_0 = arith.constant 0 : i32
    %c0_i32_1 = arith.constant 0 : i32
    return %c0_i32, %c0_i32_0 : i32, i32
  }
}

</mosaic_0001>

<sc_bundles>
// kernel: kernel.6.cloned.1.call-start
scs
__scs_entry_jumppad:
0x0: {  	(pc) =	sbr.rel $0x88, $3  }
0x1: {  	(tag) =	ssettag $0x0;
	lr =	simm.s32 $0x1  }
0x2: {  	[smem:$0x3F99] =	sst lr;
	_ =	strace $0xD0000000  }
0x3: {  	_ = 	snop  }
0x4: {  	_ = 	snop  }
0x5: {  	_ = 	snop  }
0x6: {  	_ = 	snop  }
0x7: {  	_ = 	snop  }
__scs_overlays_trampoline_lowered:
0x8: {  	[smem:$0x3FA8] =	sst s0  }
0x9: {  	[smem:$0x3FA9] =	sst s1  }
0xa: {  	[smem:$0x3FAA] =	sst s2  }
0xb: {  	[smem:$0x3FAB] =	sst s3  }
0xc: {  	[smem:$0x3FAC] =	sst s4  }
0xd: {  	[smem:$0x3FAD] =	sst s5  }
0xe: {  	[smem:$0x3FAE] =	sst s6  }
0xf: {  	[smem:$0x3FAF] =	sst s7  }
0x10: {  	[smem:$0x3FB0] =	sst s8  }
0x11: {  	[smem:$0x3FB1] =	sst s9;
	s0 =	simm.s32 @!p0 $0x0  }
0x12: {  	s1 =	sld [smem:$0x3F97];
	s0 =	simm.s32 @p0 $0x1  }
0x13: {  	[smem:$0x3FB2] =	sst s0;
	s0 =	simm.s32 @!p1 $0x0  }
0x14: {  	s2 =	sld [smem:$0x3F96];
	s0 =	simm.s32 @p1 $0x1  }
0x15: {  	[smem:$0x3FB3] =	sst s0;
	s0 =	simm.s32 @!p2 $0x0  }
0x16: {  	s3 =	sld [smem:$0x3FDB];
	s0 =	simm.s32 @p2 $0x1  }
0x17: {  	s4 =	simm.s32 $0x1BF5;
	[smem:$0x3FB5] =	sst s0  }
0x18: {  	s0 =	sld [smem:$0x3F98];
	_ =	swait.ge [sflag:s4], $0x0  }
0x19: {  	s7 =	sld [smem:$0x3F99]  }
0x1a: {  	s8 =	sadd.s32 $0xFFFFE003, lr  }
0x1b: {  	s9 =	sadd.s32 $0xFFFFFEF7, lr;
	s5 =	simm.s32 $0xFFFFFFFF;
	p2 =	slt.u32 s8, $0xFFFFF086  }
0x1c: {  	p1 =	slt.u32 s9, $0xF7A;
	s5 =	simm.s32 @!p2 $0x0  }
0x1d: {  	s5 =	simm.s32 @p1 $0x1;
	p0 =	seq.s32 s7, s2  }
0x1e: {  	s7 =	smul.u32 @!p0 $0xF7A, s2;
	p2 =	seq.s32 @!p0 s5, $0x0  }
0x1f: {  	s9 =	smul.u32 $0xF7A, s1;
	s8 =	simm.s32 @!p0 $0x1BF5;
	p2 =	por !p2, p0  }
0x20: {  	[sflag:s8] =	ssyncset.s32 @!p0 $0xFFFFF086;
	s6 =	sadd.s32 @!p0 s3, s7;
	s7 =	simm.s32 @!p0 $0x108  }
0x21: {  	s3 =	sadd.s32 s3, s9;
	s6 =	sadd.s32 @!p0 $0x88, s6;
	s7 =	simm.s32 @p2 $0x1082  }
0x22: {  	[simem:s7], [sflag:s8] =	dma.local @!p0 [hbm:s6], $0xF7A  }
0x23: {  	s9 =	sor.u32 $0xD0000000, s2;
	s6 =	simm.s32 $0x108;
	_ =	swait.ge @!p0 [sflag:s8], $0x0  }
0x24: {  	s3 =	sadd.s32 $0x88, s3;
	s6 =	simm.s32 @!p1 $0x1082;
	[sflag:s4] =	ssyncset.s32 $0xFFFFF086  }
0x25: {  	[simem:s6], [sflag:s4] =	dma.local [hbm:s3], $0xF7A  }
0x26: {  	[smem:$0x3F99] =	sst s1;
	(tag) =	ssettag s2;
	_ =	strace s9  }
0x27: {  	s1 =	sld [smem:$0x3FA9]  }
0x28: {  	s2 =	sld [smem:$0x3FAA]  }
0x29: {  	s4 =	sld [smem:$0x3FAC]  }
0x2a: {  	p0 =	seq.s32 s5, $0x0;
	s5 =	sld [smem:$0x3FAD]  }
0x2b: {  	s6 =	sld [smem:$0x3FAE]  }
0x2c: {  	s7 =	sld [smem:$0x3FAF]  }
0x2d: {  	s3 =	simm.s32 $0x108;
	s8 =	sld [smem:$0x3FB0]  }
0x2e: {  	s3 =	simm.s32 @!p0 $0x1082;
	s9 =	sld [smem:$0x3FB1]  }
0x2f: {  	lr =	sadd.s32 s0, s3;
	s0 =	sld [smem:$0x3FA8]  }
0x30: {  	s3 =	sld [smem:$0x3FAB]  }
0x31: {  	[smem:$0x3FB4] =	sst s10  }
0x32: {  	s10 =	sld [smem:$0x3FB2];
	_ =	sdelay $0x3  }
0x33: {  	p0 =	seq.s32 s10, $0x1;
	s10 =	sld [smem:$0x3FB4];
	_ =	sdelay $0x3  }
0x34: {  	[smem:$0x3FB4] =	sst s10  }
0x35: {  	s10 =	sld [smem:$0x3FB3];
	_ =	sdelay $0x3  }
0x36: {  	p1 =	seq.s32 s10, $0x1;
	s10 =	sld [smem:$0x3FB4];
	_ =	sdelay $0x3  }
0x37: {  	[smem:$0x3FB4] =	sst s10  }
0x38: {  	s10 =	sld [smem:$0x3FB5]  }
0x39: {  	_ = 	snop;
	(pc) =	sbr.ind lr, $3  }
0x3a: {  	_ = 	snop  }
0x3b: {  	_ = 	snop  }
0x3c: {  	p2 =	seq.s32 s10, $0x1;
	s10 =	sld [smem:$0x3FB4]  }
0x3d: {  	_ =	shalt  }
0x3e: {  	_ =	shalt  }
0x3f: {  	_ =	shalt  }
0x40: {  	_ =	shalt  }
0x41: {  	_ =	shalt  }
0x42: {  	_ =	shalt  }
0x43: {  	_ =	shalt  }
0x44: {  	_ =	shalt  }
0x45: {  	_ =	shalt  }
0x46: {  	_ =	shalt  }
0x47: {  	_ =	shalt  }
0x48: {  	_ =	shalt  }
0x49: {  	_ =	shalt  }
0x4a: {  	_ =	shalt  }
0x4b: {  	_ =	shalt  }
0x4c: {  	_ =	shalt  }
0x4d: {  	_ =	shalt  }
0x4e: {  	_ =	shalt  }
0x4f: {  	_ =	shalt  }
0x50: {  	_ =	shalt  }
0x51: {  	_ =	shalt  }
0x52: {  	_ =	shalt  }
0x53: {  	_ =	shalt  }
0x54: {  	_ =	shalt  }
0x55: {  	_ =	shalt  }
0x56: {  	_ =	shalt  }
0x57: {  	_ =	shalt  }
0x58: {  	_ =	shalt  }
0x59: {  	_ =	shalt  }
0x5a: {  	_ =	shalt  }
0x5b: {  	_ =	shalt  }
0x5c: {  	_ =	shalt  }
0x5d: {  	_ =	shalt  }
0x5e: {  	_ =	shalt  }
0x5f: {  	_ =	shalt  }
0x60: {  	_ =	shalt  }
0x61: {  	_ =	shalt  }
0x62: {  	_ =	shalt  }
0x63: {  	_ =	shalt  }
0x64: {  	_ =	shalt  }
0x65: {  	_ =	shalt  }
0x66: {  	_ =	shalt  }
0x67: {  	_ =	shalt  }
0x68: {  	_ =	shalt  }
0x69: {  	_ =	shalt  }
0x6a: {  	_ =	shalt  }
0x6b: {  	_ =	shalt  }
0x6c: {  	_ =	shalt  }
0x6d: {  	_ =	shalt  }
0x6e: {  	_ =	shalt  }
0x6f: {  	_ =	shalt  }
0x70: {  	_ =	shalt  }
0x71: {  	_ =	shalt  }
0x72: {  	_ =	shalt  }
0x73: {  	_ =	shalt  }
0x74: {  	_ =	shalt  }
0x75: {  	_ =	shalt  }
0x76: {  	_ =	shalt  }
0x77: {  	_ =	shalt  }
0x78: {  	_ =	shalt  }
0x79: {  	_ =	shalt  }
0x7a: {  	_ =	shalt  }
0x7b: {  	_ =	shalt  }
0x7c: {  	_ =	shalt  }
0x7d: {  	_ =	shalt  }
0x7e: {  	_ =	shalt  }
0x7f: {  	_ =	shalt  }
0x80: {  	_ =	shalt  }
0x81: {  	_ =	shalt  }
0x82: {  	_ =	shalt  }
0x83: {  	_ =	shalt  }
0x84: {  	_ =	shalt  }
0x85: {  	_ =	shalt  }
0x86: {  	_ =	shalt  }
0x87: {  	_ =	shalt  }
.Lfunc_end0:
.L_simem_size_0:
called_computation_lowered:
.L_overlay_start_0:
0x88: {  	s2 =	sld [smem:$0x3FD9]  }
0x89: {  	s3 =	sld [smem:$0x3FFE];
	_ =	sdelay $0x1  }
0x8a: {  	s1 =	srdreg.scid  }
0x8b: {  	s0 =	sand.u32 $0x1, s1  }
0x8c: {  	s15 =	sshll.u32 s0, $0xA;
	s2 =	sadd.s32 s3, s2  }
0x8d: {  	s2 =	sadd.s32 s2, s15  }
0x8e: {  	[smem:$0x3FC0] =	sst s2  }
0x8f: {  	_ = 	snop  }
0x90: {  	s2 =	sld [smem:$0x3FD0];
	_ =	sdelay $0x2  }
0x91: {  	s16 =	simm.s32 $0xB;
	s4 =	simm.s32 $0x10  }
0x92: {  	[smem:s4], [sflag:s16] =	dma.local [hbm:s2], $0x1  }
0x93: {  	_ =	swait.eq [sflag:s16], $0x1  }
0x94: {  	[sflag:s16] =	ssyncset.done $0x0  }
0x95: {  	[sflag:s16] =	ssyncadd.s32 $0xFFFFFFFF  }
0x96: {  	s17 =	sld [smem:$0x11];
	(tm) =	ssettm $0x1  }
0x97: {  	s18 =	sld [smem:$0x3FFB];
	_ =	sdelay $0x3  }
0x98: {  	_ =	strace s18  }
0x99: {  	s2 =	sld [smem:$0x3FFC];
	_ =	sdelay $0x3  }
0x9a: {  	_ =	strace s2  }
0x9b: {  	s2 =	sld [smem:$0x3FFD];
	_ =	sdelay $0x3  }
0x9c: {  	_ =	strace s2  }
0x9d: {  	_ =	strace $0x8FFFFFFF  }
0x9e: {  	s19 =	sld [smem:$0x3FDB];
	_ =	sdelay $0x1  }
0x9f: {  	s20 =	simm.s32 $_scs_section_size  }
0xa0: {  	s5 =	simm.s32 $_size__tile_overlayer_lowered;
	s6 =	simm.s32 $_tile_overlayer_lowered  }
0xa1: {  	s7 =	simm.s32 $0x1BFF;
	s21 =	sshll.u32 s6, $0x1;
	s4 =	sadd.s32 s20, s19  }
0xa2: {  	s22 =	simm.s32 $0x0;
	s5 =	sshll.u32 s5, $0x1;
	s6 =	sadd.s32 s21, s4  }
0xa3: {  	[timem:s22], [sflag:s7] =	dma.local [hbm:s6], s5  }
0xa4: {  	_ =	swait.ge [sflag:s7], s5  }
0xa5: {  	s5 =	ssub.s32 $0x0, s5;
	[sflag:s7] =	ssyncset.done $0x0  }
0xa6: {  	[sflag:s7] =	ssyncadd.s32 s5;
	_ =	sdelay $0x1  }
0xa7: {  	s23 =	simm.s32 $0x1B8B  }
0xa8: {  	_ =	swait.ge [sflag:s23], $0x1  }
0xa9: {  	[sflag:s23] =	ssyncset.done $0x0  }
0xaa: {  	[sflag:s23] =	ssyncadd.s32 $0xFFFFFFFF  }
0xab: {  	s5 =	sld [smem:$0x0]  }
0xac: {  	s6 =	sand.u32 $0xFFFFFFFE, s1  }
0xad: {  	p0 =	sne.s32 s1, s6  }
0xae: {  	s6 =	sshll.u32 @p0 s6, $0xE  }
0xaf: {  	s6 =	sadd.s32 @p0 $0x11B8D, s6;
	s7 =	sshll.u32 @p0 s5, $0x11  }
0xb0: {  	s6 =	sor.u32 @p0 s7, s6  }
0xb1: {  	[sflag:s6] =	ssyncadd.remote.s32 @p0 $0x1;
	_ =	sdelay $0x1  }
0xb2: {  	s6 =	simm.s32 @p0 $0x1B8D  }
0xb3: {  	_ =	swait.eq @p0 [sflag:s6], $0x1  }
0xb4: {  	[sflag:s6] =	ssyncadd.s32 @p0 $0xFFFFFFFF  }
0xb5: {  	s7 =	sshll.u32 @!p0 s1, $0xE  }
0xb6: {  	s7 =	sor.u32 @!p0 $0x4000, s7;
	s6 =	simm.s32 @!p0 $0x1B8D  }
0xb7: {  	s5 =	sshll.u32 @!p0 s5, $0x11;
	s7 =	sadd.s32 @!p0 $0x11B8D, s7;
	_ =	swait.eq @!p0 [sflag:s6], $0x1  }
0xb8: {  	s5 =	sor.u32 @!p0 s5, s7;
	[sflag:s6] =	ssyncadd.s32 @!p0 $0xFFFFFFFF  }
0xb9: {  	s25 =	simm.s32 $0x1B8E;
	s24 =	sld [smem:$0x3FFE];
	[sflag:s5] =	ssyncadd.remote.s32 @!p0 $0x1  }
0xba: {  	s26 =	simm.s32 $execute0_lowered;
	[smem:$0x3FD2] =	sst s25  }
0xbb: {  	s6 =	sshll.u32 s26, $0x1;
	_ =	strace $0x80000049;
	[dreg:$0x1] =	wrdreg $0xFFFFFFFF  }
0xbc: {  	s28 =	simm.s32 $_size_execute0_lowered;
	s4 =	sadd.s32 s4, s6;
	[dreg:$0x0] =	wrdreg $0x0  }
0xbd: {  	s6 =	sshll.u32 s28, $0x1;
	[dreg:$0x2] =	wrdreg s4  }
0xbe: {  	[dreg:$0x3] =	wrdreg s6  }
0xbf: {  	[dreg:$0x4] =	wrdreg $0xC0  }
0xc0: {  	_ =	task [dreg:s22], $0x5FFFF  }
0xc1: {  	[dreg:$0x1] =	wrdreg $0xFFFFFFFF  }
0xc2: {  	[dreg:$0x0] =	wrdreg $0x60  }
0xc3: {  	[dreg:$0x2] =	wrdreg s24  }
0xc4: {  	[dreg:$0x3] =	wrdreg s17  }
0xc5: {  	[dreg:$0x4] =	wrdreg $0x9  }
0xc6: {  	_ =	task.clear_ibuf [dreg:s22], $0x5FFFF;
	_ =	strace $0x90000049  }
0xc7: {  	s29 =	simm.s32 $0x9;
	_ =	strace $0x8000004B  }
0xc8: {  	_ =	swait.ge [sflag:s29], $0x1  }
0xc9: {  	[sflag:s29] =	ssyncadd.s32 $0xFFFFFFFF  }
0xca: {  	_ =	strace $0x9000004B  }
0xcb: {  	_ =	sfence  }
0xcc: {  	s30 =	sld [smem:$0x0];
	_ =	sdelay $0x2  }
0xcd: {  	s31 =	sshll.u32 s1, $0xD;
	s1 =	sshrl.u32 s1, $0x2  }
0xce: {  	s4 =	sand.u32 $0x4000, s31;
	s1 =	sadd.s32 s1, s30  }
0xcf: {  	s0 =	sor.u32 s4, s0;
	s1 =	sshll.u32 s1, $0x11  }
0xd0: {  	s0 =	sor.u32 s1, s0  }
0xd1: {  	s0 =	sadd.s32 $0x8F2B, s0  }
0xd2: {  	[sflag:s0] =	ssyncadd.remote.s32 $0x1  }
0xd3: {  	_ =	sfence.sel $0xFFFF  }
0xd4: {  	[dreg:$0x0] =	wrdreg $0xFFFFFFFF;
	(pc) =	sbr.abs _section_cstart, $3  }
0xd5: {  	[dreg:$0x1] =	wrdreg $0xFFFFFFFF  }
0xd6: {  	_ =	task.clear_ibuf [dreg:s22], $0x2FFFF;
	_ =	strace $0x9FFFFFFF  }
0xd7: {  	(tm) =	ssettm $0x7FFFFFFF  }
tec
execute0_lowered:
.L_overlay_start_1:
0x0: {  	(tag) =	ssettag $0x1  }
0x1: {  	s1 =	srdreg.scid  }
0x2: {  	s0 =	stileid.u32;
	s6 =	sand.u32 $0x1, s1  }
0x3: {  	s5 =	rddreg [dreg:$0x0];
	s30 =	sshll.u32 s0, $0x9;
	s2 =	sshll.u32 s6, $0x8  }
0x4: {  	s8 =	rddreg [dreg:$0x1];
	s9 =	sor.u32 s2, s30  }
0x5: {  	s1 =	rddreg [dreg:$0x2];
	s2 =	simm.s32 $0x0;
	s3 =	sshrl.u32 s9, $0x3  }
0x6: {  	s10 =	ssub.s32 $0x2, s6;
	[smem:$0x7FF] =	sst s2;
	s3 =	sadd.s32 s3, s5  }
0x7: {  	_ =	strace $0x8000004A;
	s4 =	sadd.s32 $0x25600, s3;
	s3 =	simm.s32 $0x2  }
0x8: {  	[tilespmem:s2], [sflag:$0x2] =	stream.linear.gather [hbm4b:s4+s2], $0x100, $0x38;
	[tilespmem:$0x8100] =	vst v63  }
0x9: {  	s7 =	simm.s32 $0x1;
	s11 =	sshrl.u32 s10, $0x1;
	_ =	swait.ge [sflag:s3], $0x100  }
0xa: {  	s6 =	simm.s32 $0x100;
	s10 =	ssub.s32 s10, s11;
	[sflag:s3] =	ssyncset.done $0x0  }
0xb: {  	s5 =	sadd.s32 $0x1000, s5;
	s31 =	smax.u32 s10, $0x1;
	[sflag:s3] =	ssyncadd.s32 $0xFFFFFF00  }
0xc: {  	[tilespmem:s6], [sflag:$0x1] =	stream.indirect.gather [hbm4b:s5+s6], $0x80, s2, s6, $0xb8;
	[tilespmem:$0x8100] =	vst v63  }
0xd: {  	p0 =	sne.s32 s31, $0x1;
	_ =	swait.ge [sflag:s7], $0x8000  }
.Ltmp0:
0xe: {  	s9 =	sshll.u32 s9, $0x4;
	[sflag:s7] =	ssyncset.done $0x0;
	(pc) =	sbr.rel @!p0 .LBB2_2-.Ltmp0, $4  }
0xf: {  	s8 =	sadd.s32 s8, s9;
	[sflag:s7] =	ssyncadd.s32 $0xFFFF8000  }
0x10: {  	[hbm4b:s8+s2] =	stream.linear.scatter [tilespmem:s6], [sflag:$0x2], $0x8000, $0x38;
	[tilespmem:$0x8100] =	vst v63  }
0x11: {  	_ =	swait.ge [sflag:s3], $0x8000  }
0x12: {  	s9 =	sadd.s32 $0xFFFFFFFF, s31;
	[sflag:s3] =	ssyncset.done $0x0  }
.LBB2_1:
0x13: {  	p0 =	sne.s32 s9, $0x1;
	s9 =	sadd.s32 $0xFFFFFFFF, s9;
	[sflag:s3] =	ssyncadd.s32 $0xFFFF8000  }
0x14: {  	[tilespmem:s2], [sflag:$0x2] =	stream.linear.gather [hbm4b:s4+s2], $0x100, $0x38;
	[tilespmem:$0x8100] =	vst v63  }
0x15: {  	_ =	swait.ge [sflag:s3], $0x100  }
0x16: {  	[sflag:s3] =	ssyncset.done $0x0  }
0x17: {  	[sflag:s3] =	ssyncadd.s32 $0xFFFFFF00  }
0x18: {  	[tilespmem:s6], [sflag:$0x1] =	stream.indirect.gather [hbm4b:s5+s6], $0x80, s2, s6, $0xb8;
	[tilespmem:$0x8100] =	vst v63  }
0x19: {  	_ =	swait.ge [sflag:s7], $0x8000  }
.Ltmp1:
0x1a: {  	[sflag:s7] =	ssyncset.done $0x0;
	(pc) =	sbr.rel @p0 .LBB2_1-.Ltmp1, $4  }
0x1b: {  	[sflag:s7] =	ssyncadd.s32 $0xFFFF8000  }
0x1c: {  	[hbm4b:s8+s2] =	stream.linear.scatter [tilespmem:s6], [sflag:$0x2], $0x8000, $0x38;
	[tilespmem:$0x8100] =	vst v63  }
0x1d: {  	_ =	swait.ge [sflag:s3], $0x8000  }
0x1e: {  	[sflag:s3] =	ssyncset.done $0x0  }
.LBB2_2:
0x1f: {  	[sflag:s3] =	ssyncadd.s32 $0xFFFF8000  }
0x20: {  	_ =	sfence.sel $0x180000  }
0x21: {  	[bflag:$0x0] =	sbarrier.arrive $0xFFFF  }
0x22: {  	p0 =	sne.s32 s0, $0x0;
	_ =	strace $0x9000004A  }
0x23: {  	s0 =	sadd.s32 @!p0 $0x100000, s1;
	[bflag:$0x2] =	sbarrier.arrive $0xFFFF  }
0x24: {  	[sflag:s0] =	ssyncadd.tile.s32 @!p0 $0x1;
	_ =	shalt  }
.Lfunc_end2:
_tile_overlayer_lowered:
.L_overlay_start_2:
0x25: {  	(tag) =	ssettag $0x2  }
0x26: {  	s0 =	rddreg [dreg:$0x0];
	s2 =	stileid.u32  }
0x27: {  	s1 =	rddreg [dreg:$0x1];
	p0 =	sne.s32 s2, $0x0  }
0x28: {  	s3 =	rddreg [dreg:$0x2];
	[bflag:$0x3] =	sbarrier.arrive $0xFFFF;
	s2 =	simm.s32 @!p0 $0x1C02  }
0x29: {  	[timem:s3], [sflag:s2] =	dma.local @!p0 [hbm:s0], s1  }
0x2a: {  	s0 =	simm.s32 @!p0 $0x2  }
0x2b: {  	_ =	swait.ge @!p0 [sflag:s0], s1  }
0x2c: {  	s1 =	ssub.s32 @!p0 $0x0, s1;
	[sflag:s0] =	ssyncset.done @!p0 $0x0  }
0x2d: {  	[sflag:s0] =	ssyncadd.s32 @!p0 s1  }
0x2e: {  	[bflag:$0x3] =	sbarrier.arrive $0xFFFF  }
0x2f: {  	_ =	shalt  }

// kernel: kernel.9.cloned.1.call-start
scs
__scs_entry_jumppad:
0x0: {  	(pc) =	sbr.rel $0x88, $3  }
0x1: {  	(tag) =	ssettag $0x0;
	lr =	simm.s32 $0x1  }
0x2: {  	[smem:$0x3F99] =	sst lr;
	_ =	strace $0xD0000000  }
0x3: {  	_ = 	snop  }
0x4: {  	_ = 	snop  }
0x5: {  	_ = 	snop  }
0x6: {  	_ = 	snop  }
0x7: {  	_ = 	snop  }
__scs_overlays_trampoline_lowered:
0x8: {  	[smem:$0x3FA8] =	sst s0  }
0x9: {  	[smem:$0x3FA9] =	sst s1  }
0xa: {  	[smem:$0x3FAA] =	sst s2  }
0xb: {  	[smem:$0x3FAB] =	sst s3  }
0xc: {  	[smem:$0x3FAC] =	sst s4  }
0xd: {  	[smem:$0x3FAD] =	sst s5  }
0xe: {  	[smem:$0x3FAE] =	sst s6  }
0xf: {  	[smem:$0x3FAF] =	sst s7  }
0x10: {  	[smem:$0x3FB0] =	sst s8  }
0x11: {  	[smem:$0x3FB1] =	sst s9;
	s0 =	simm.s32 @!p0 $0x0  }
0x12: {  	s1 =	sld [smem:$0x3F97];
	s0 =	simm.s32 @p0 $0x1  }
0x13: {  	[smem:$0x3FB2] =	sst s0;
	s0 =	simm.s32 @!p1 $0x0  }
0x14: {  	s2 =	sld [smem:$0x3F96];
	s0 =	simm.s32 @p1 $0x1  }
0x15: {  	[smem:$0x3FB3] =	sst s0;
	s0 =	simm.s32 @!p2 $0x0  }
0x16: {  	s3 =	sld [smem:$0x3FDB];
	s0 =	simm.s32 @p2 $0x1  }
0x17: {  	s4 =	simm.s32 $0x1BF5;
	[smem:$0x3FB5] =	sst s0  }
0x18: {  	s0 =	sld [smem:$0x3F98];
	_ =	swait.ge [sflag:s4], $0x0  }
0x19: {  	s7 =	sld [smem:$0x3F99]  }
0x1a: {  	s8 =	sadd.s32 $0xFFFFE003, lr  }
0x1b: {  	s9 =	sadd.s32 $0xFFFFFEF7, lr;
	s5 =	simm.s32 $0xFFFFFFFF;
	p2 =	slt.u32 s8, $0xFFFFF086  }
0x1c: {  	p1 =	slt.u32 s9, $0xF7A;
	s5 =	simm.s32 @!p2 $0x0  }
0x1d: {  	s5 =	simm.s32 @p1 $0x1;
	p0 =	seq.s32 s7, s2  }
0x1e: {  	s7 =	smul.u32 @!p0 $0xF7A, s2;
	p2 =	seq.s32 @!p0 s5, $0x0  }
0x1f: {  	s9 =	smul.u32 $0xF7A, s1;
	s8 =	simm.s32 @!p0 $0x1BF5;
	p2 =	por !p2, p0  }
0x20: {  	[sflag:s8] =	ssyncset.s32 @!p0 $0xFFFFF086;
	s6 =	sadd.s32 @!p0 s3, s7;
	s7 =	simm.s32 @!p0 $0x108  }
0x21: {  	s3 =	sadd.s32 s3, s9;
	s6 =	sadd.s32 @!p0 $0x88, s6;
	s7 =	simm.s32 @p2 $0x1082  }
0x22: {  	[simem:s7], [sflag:s8] =	dma.local @!p0 [hbm:s6], $0xF7A  }
0x23: {  	s9 =	sor.u32 $0xD0000000, s2;
	s6 =	simm.s32 $0x108;
	_ =	swait.ge @!p0 [sflag:s8], $0x0  }
0x24: {  	s3 =	sadd.s32 $0x88, s3;
	s6 =	simm.s32 @!p1 $0x1082;
	[sflag:s4] =	ssyncset.s32 $0xFFFFF086  }
0x25: {  	[simem:s6], [sflag:s4] =	dma.local [hbm:s3], $0xF7A  }
0x26: {  	[smem:$0x3F99] =	sst s1;
	(tag) =	ssettag s2;
	_ =	strace s9  }
0x27: {  	s1 =	sld [smem:$0x3FA9]  }
0x28: {  	s2 =	sld [smem:$0x3FAA]  }
0x29: {  	s4 =	sld [smem:$0x3FAC]  }
0x2a: {  	p0 =	seq.s32 s5, $0x0;
	s5 =	sld [smem:$0x3FAD]  }
0x2b: {  	s6 =	sld [smem:$0x3FAE]  }
0x2c: {  	s7 =	sld [smem:$0x3FAF]  }
0x2d: {  	s3 =	simm.s32 $0x108;
	s8 =	sld [smem:$0x3FB0]  }
0x2e: {  	s3 =	simm.s32 @!p0 $0x1082;
	s9 =	sld [smem:$0x3FB1]  }
0x2f: {  	lr =	sadd.s32 s0, s3;
	s0 =	sld [smem:$0x3FA8]  }
0x30: {  	s3 =	sld [smem:$0x3FAB]  }
0x31: {  	[smem:$0x3FB4] =	sst s10  }
0x32: {  	s10 =	sld [smem:$0x3FB2];
	_ =	sdelay $0x3  }
0x33: {  	p0 =	seq.s32 s10, $0x1;
	s10 =	sld [smem:$0x3FB4];
	_ =	sdelay $0x3  }
0x34: {  	[smem:$0x3FB4] =	sst s10  }
0x35: {  	s10 =	sld [smem:$0x3FB3];
	_ =	sdelay $0x3  }
0x36: {  	p1 =	seq.s32 s10, $0x1;
	s10 =	sld [smem:$0x3FB4];
	_ =	sdelay $0x3  }
0x37: {  	[smem:$0x3FB4] =	sst s10  }
0x38: {  	s10 =	sld [smem:$0x3FB5]  }
0x39: {  	_ = 	snop;
	(pc) =	sbr.ind lr, $3  }
0x3a: {  	_ = 	snop  }
0x3b: {  	_ = 	snop  }
0x3c: {  	p2 =	seq.s32 s10, $0x1;
	s10 =	sld [smem:$0x3FB4]  }
0x3d: {  	_ =	shalt  }
0x3e: {  	_ =	shalt  }
0x3f: {  	_ =	shalt  }
0x40: {  	_ =	shalt  }
0x41: {  	_ =	shalt  }
0x42: {  	_ =	shalt  }
0x43: {  	_ =	shalt  }
0x44: {  	_ =	shalt  }
0x45: {  	_ =	shalt  }
0x46: {  	_ =	shalt  }
0x47: {  	_ =	shalt  }
0x48: {  	_ =	shalt  }
0x49: {  	_ =	shalt  }
0x4a: {  	_ =	shalt  }
0x4b: {  	_ =	shalt  }
0x4c: {  	_ =	shalt  }
0x4d: {  	_ =	shalt  }
0x4e: {  	_ =	shalt  }
0x4f: {  	_ =	shalt  }
0x50: {  	_ =	shalt  }
0x51: {  	_ =	shalt  }
0x52: {  	_ =	shalt  }
0x53: {  	_ =	shalt  }
0x54: {  	_ =	shalt  }
0x55: {  	_ =	shalt  }
0x56: {  	_ =	shalt  }
0x57: {  	_ =	shalt  }
0x58: {  	_ =	shalt  }
0x59: {  	_ =	shalt  }
0x5a: {  	_ =	shalt  }
0x5b: {  	_ =	shalt  }
0x5c: {  	_ =	shalt  }
0x5d: {  	_ =	shalt  }
0x5e: {  	_ =	shalt  }
0x5f: {  	_ =	shalt  }
0x60: {  	_ =	shalt  }
0x61: {  	_ =	shalt  }
0x62: {  	_ =	shalt  }
0x63: {  	_ =	shalt  }
0x64: {  	_ =	shalt  }
0x65: {  	_ =	shalt  }
0x66: {  	_ =	shalt  }
0x67: {  	_ =	shalt  }
0x68: {  	_ =	shalt  }
0x69: {  	_ =	shalt  }
0x6a: {  	_ =	shalt  }
0x6b: {  	_ =	shalt  }
0x6c: {  	_ =	shalt  }
0x6d: {  	_ =	shalt  }
0x6e: {  	_ =	shalt  }
0x6f: {  	_ =	shalt  }
0x70: {  	_ =	shalt  }
0x71: {  	_ =	shalt  }
0x72: {  	_ =	shalt  }
0x73: {  	_ =	shalt  }
0x74: {  	_ =	shalt  }
0x75: {  	_ =	shalt  }
0x76: {  	_ =	shalt  }
0x77: {  	_ =	shalt  }
0x78: {  	_ =	shalt  }
0x79: {  	_ =	shalt  }
0x7a: {  	_ =	shalt  }
0x7b: {  	_ =	shalt  }
0x7c: {  	_ =	shalt  }
0x7d: {  	_ =	shalt  }
0x7e: {  	_ =	shalt  }
0x7f: {  	_ =	shalt  }
0x80: {  	_ =	shalt  }
0x81: {  	_ =	shalt  }
0x82: {  	_ =	shalt  }
0x83: {  	_ =	shalt  }
0x84: {  	_ =	shalt  }
0x85: {  	_ =	shalt  }
0x86: {  	_ =	shalt  }
0x87: {  	_ =	shalt  }
.Lfunc_end0:
.L_simem_size_0:
called_computation.1_lowered:
.L_overlay_start_0:
0x88: {  	s2 =	sld [smem:$0x3FD9]  }
0x89: {  	s3 =	sld [smem:$0x3FFE];
	_ =	sdelay $0x1  }
0x8a: {  	s1 =	srdreg.scid  }
0x8b: {  	s0 =	sand.u32 $0x1, s1  }
0x8c: {  	s16 =	sshll.u32 s0, $0xA;
	s2 =	sadd.s32 s3, s2  }
0x8d: {  	s2 =	sadd.s32 s2, s16  }
0x8e: {  	[smem:$0x3FC0] =	sst s2  }
0x8f: {  	_ = 	snop  }
0x90: {  	(tm) =	ssettm $0x1  }
0x91: {  	s17 =	sld [smem:$0x3FFB];
	_ =	sdelay $0x3  }
0x92: {  	_ =	strace s17  }
0x93: {  	s2 =	sld [smem:$0x3FFC];
	_ =	sdelay $0x3  }
0x94: {  	_ =	strace s2  }
0x95: {  	s2 =	sld [smem:$0x3FFD];
	_ =	sdelay $0x3  }
0x96: {  	_ =	strace s2  }
0x97: {  	_ =	strace $0x8FFFFFFF  }
0x98: {  	s18 =	sld [smem:$0x3FDB];
	_ =	sdelay $0x1  }
0x99: {  	s19 =	simm.s32 $_scs_section_size  }
0x9a: {  	s4 =	simm.s32 $_size__tile_overlayer_lowered;
	s5 =	simm.s32 $_tile_overlayer_lowered  }
0x9b: {  	s22 =	simm.s32 $0x1BFF;
	s21 =	sshll.u32 s5, $0x1;
	s2 =	sadd.s32 s19, s18  }
0x9c: {  	s6 =	simm.s32 $0x0;
	s20 =	sshll.u32 s4, $0x1;
	s4 =	sadd.s32 s21, s2  }
0x9d: {  	[timem:s6], [sflag:s22] =	dma.local [hbm:s4], s20  }
0x9e: {  	_ =	swait.ge [sflag:s22], s20  }
0x9f: {  	s3 =	ssub.s32 $0x0, s20;
	[sflag:s22] =	ssyncset.done $0x0  }
0xa0: {  	[sflag:s22] =	ssyncadd.s32 s3;
	_ =	sdelay $0x1  }
0xa1: {  	s23 =	simm.s32 $0x1B8B  }
0xa2: {  	_ =	swait.ge [sflag:s23], $0x1  }
0xa3: {  	[sflag:s23] =	ssyncset.done $0x0  }
0xa4: {  	s25 =	simm.s32 $0x1B8E;
	s24 =	sld [smem:$0x3FFE];
	[sflag:s23] =	ssyncadd.s32 $0xFFFFFFFF  }
0xa5: {  	s26 =	simm.s32 $execute0_lowered;
	[smem:$0x3FD2] =	sst s25  }
0xa6: {  	s4 =	sshll.u32 s26, $0x1;
	_ =	strace $0x80000046;
	[dreg:$0x1] =	wrdreg $0xFFFFFFFF  }
0xa7: {  	s28 =	simm.s32 $_size_execute0_lowered;
	s2 =	sadd.s32 s2, s4;
	[dreg:$0x0] =	wrdreg $0x0  }
0xa8: {  	s4 =	sshll.u32 s28, $0x1;
	[dreg:$0x2] =	wrdreg s2  }
0xa9: {  	[dreg:$0x3] =	wrdreg s4  }
0xaa: {  	[dreg:$0x4] =	wrdreg $0xC0  }
0xab: {  	_ =	task [dreg:s6], $0x5FFFF  }
0xac: {  	[dreg:$0x1] =	wrdreg $0xFFFFFFFF  }
0xad: {  	[dreg:$0x0] =	wrdreg $0x60  }
0xae: {  	[dreg:$0x2] =	wrdreg s24  }
0xaf: {  	[dreg:$0x3] =	wrdreg $0xA  }
0xb0: {  	_ =	task.clear_ibuf [dreg:s6], $0x4FFFF;
	_ =	strace $0x90000046  }
0xb1: {  	s29 =	simm.s32 $0xA;
	_ =	strace $0x80000048  }
0xb2: {  	_ =	swait.ge [sflag:s29], $0x1  }
0xb3: {  	[sflag:s29] =	ssyncadd.s32 $0xFFFFFFFF  }
0xb4: {  	_ =	strace $0x90000048  }
0xb5: {  	_ =	sfence  }
0xb6: {  	s30 =	sld [smem:$0x0];
	_ =	sdelay $0x2  }
0xb7: {  	s31 =	sshll.u32 s1, $0xD;
	s1 =	sshrl.u32 s1, $0x2  }
0xb8: {  	s3 =	sand.u32 $0x4000, s31;
	s1 =	sadd.s32 s1, s30  }
0xb9: {  	s0 =	sor.u32 s3, s0;
	s1 =	sshll.u32 s1, $0x11  }
0xba: {  	s0 =	sor.u32 s1, s0  }
0xbb: {  	s0 =	sadd.s32 $0x8F2B, s0  }
0xbc: {  	[sflag:s0] =	ssyncadd.remote.s32 $0x1  }
0xbd: {  	_ =	sfence.sel $0xFFFF  }
0xbe: {  	[dreg:$0x0] =	wrdreg $0xFFFFFFFF;
	(pc) =	sbr.abs _section_cstart, $3  }
0xbf: {  	[dreg:$0x1] =	wrdreg $0xFFFFFFFF  }
0xc0: {  	_ =	task.clear_ibuf [dreg:s6], $0x2FFFF;
	_ =	strace $0x9FFFFFFF  }
0xc1: {  	(tm) =	ssettm $0x7FFFFFFF  }
tec
execute0_lowered:
.L_overlay_start_1:
0x0: {  	(tag) =	ssettag $0x1  }
0x1: {  	s1 =	srdreg.scid  }
0x2: {  	s0 =	stileid.u32;
	s6 =	sand.u32 $0x1, s1  }
0x3: {  	s8 =	rddreg [dreg:$0x0];
	s30 =	sshll.u32 s0, $0x9;
	s2 =	sshll.u32 s6, $0x8  }
0x4: {  	s7 =	simm.s32 $0x1;
	s1 =	rddreg [dreg:$0x1];
	s9 =	sor.u32 s2, s30  }
0x5: {  	s5 =	sadd.s32 $0x1000, s8;
	s2 =	simm.s32 $0x0;
	s3 =	sshrl.u32 s9, $0x3  }
0x6: {  	s10 =	ssub.s32 $0x2, s6;
	[smem:$0x7FF] =	sst s2;
	s3 =	sadd.s32 s3, s8  }
0x7: {  	_ =	strace $0x80000047;
	s4 =	sadd.s32 $0x5000, s3;
	s3 =	simm.s32 $0x2  }
0x8: {  	[tilespmem:s2], [sflag:$0x2] =	stream.linear.gather [hbm4b:s4+s2], $0x100, $0x38;
	[tilespmem:$0x8100] =	vst v63  }
0x9: {  	s6 =	simm.s32 $0x100;
	s11 =	sshrl.u32 s10, $0x1;
	_ =	swait.ge [sflag:s3], $0x100  }
0xa: {  	s9 =	sshll.u32 s9, $0x4;
	s31 =	ssub.s32 s10, s11;
	[sflag:s3] =	ssyncset.done $0x0  }
0xb: {  	s8 =	sadd.s32 s9, s8;
	s9 =	smax.u32 s31, $0x1;
	[sflag:s3] =	ssyncadd.s32 $0xFFFFFF00  }
0xc: {  	[tilespmem:s6], [sflag:$0x1] =	stream.indirect.gather [hbm4b:s5+s6], $0x80, s2, s6, $0xb8;
	[tilespmem:$0x8100] =	vst v63  }
0xd: {  	p0 =	sne.s32 s9, $0x1;
	_ =	swait.ge [sflag:s7], $0x8000  }
.Ltmp0:
0xe: {  	[sflag:s7] =	ssyncset.done $0x0;
	(pc) =	sbr.rel @!p0 .LBB2_2-.Ltmp0, $4  }
0xf: {  	s8 =	sadd.s32 $0x5400, s8;
	[sflag:s7] =	ssyncadd.s32 $0xFFFF8000  }
0x10: {  	[hbm4b:s8+s2] =	stream.linear.scatter [tilespmem:s6], [sflag:$0x2], $0x8000, $0x38;
	[tilespmem:$0x8100] =	vst v63  }
0x11: {  	_ =	swait.ge [sflag:s3], $0x8000  }
0x12: {  	s9 =	sadd.s32 $0xFFFFFFFF, s9;
	[sflag:s3] =	ssyncset.done $0x0  }
.LBB2_1:
0x13: {  	p0 =	sne.s32 s9, $0x1;
	s9 =	sadd.s32 $0xFFFFFFFF, s9;
	[sflag:s3] =	ssyncadd.s32 $0xFFFF8000  }
0x14: {  	[tilespmem:s2], [sflag:$0x2] =	stream.linear.gather [hbm4b:s4+s2], $0x100, $0x38;
	[tilespmem:$0x8100] =	vst v63  }
0x15: {  	_ =	swait.ge [sflag:s3], $0x100  }
0x16: {  	[sflag:s3] =	ssyncset.done $0x0  }
0x17: {  	[sflag:s3] =	ssyncadd.s32 $0xFFFFFF00  }
0x18: {  	[tilespmem:s6], [sflag:$0x1] =	stream.indirect.gather [hbm4b:s5+s6], $0x80, s2, s6, $0xb8;
	[tilespmem:$0x8100] =	vst v63  }
0x19: {  	_ =	swait.ge [sflag:s7], $0x8000  }
.Ltmp1:
0x1a: {  	[sflag:s7] =	ssyncset.done $0x0;
	(pc) =	sbr.rel @p0 .LBB2_1-.Ltmp1, $4  }
0x1b: {  	[sflag:s7] =	ssyncadd.s32 $0xFFFF8000  }
0x1c: {  	[hbm4b:s8+s2] =	stream.linear.scatter [tilespmem:s6], [sflag:$0x2], $0x8000, $0x38;
	[tilespmem:$0x8100] =	vst v63  }
0x1d: {  	_ =	swait.ge [sflag:s3], $0x8000  }
0x1e: {  	[sflag:s3] =	ssyncset.done $0x0  }
.LBB2_2:
0x1f: {  	[sflag:s3] =	ssyncadd.s32 $0xFFFF8000  }
0x20: {  	_ =	sfence.sel $0x180000  }
0x21: {  	[bflag:$0x0] =	sbarrier.arrive $0xFFFF  }
0x22: {  	p0 =	sne.s32 s0, $0x0;
	_ =	strace $0x90000047  }
0x23: {  	s0 =	sadd.s32 @!p0 $0x100000, s1;
	[bflag:$0x2] =	sbarrier.arrive $0xFFFF  }
0x24: {  	[sflag:s0] =	ssyncadd.tile.s32 @!p0 $0x1;
	_ =	shalt  }
.Lfunc_end2:
_tile_overlayer_lowered:
.L_overlay_start_2:
0x25: {  	(tag) =	ssettag $0x2  }
0x26: {  	s0 =	rddreg [dreg:$0x0];
	s2 =	stileid.u32  }
0x27: {  	s1 =	rddreg [dreg:$0x1];
	p0 =	sne.s32 s2, $0x0  }
0x28: {  	s3 =	rddreg [dreg:$0x2];
	[bflag:$0x3] =	sbarrier.arrive $0xFFFF;
	s2 =	simm.s32 @!p0 $0x1C02  }
0x29: {  	[timem:s3], [sflag:s2] =	dma.local @!p0 [hbm:s0], s1  }
0x2a: {  	s0 =	simm.s32 @!p0 $0x2  }
0x2b: {  	_ =	swait.ge @!p0 [sflag:s0], s1  }
0x2c: {  	s1 =	ssub.s32 @!p0 $0x0, s1;
	[sflag:s0] =	ssyncset.done @!p0 $0x0  }
0x2d: {  	[sflag:s0] =	ssyncadd.s32 @!p0 s1  }
0x2e: {  	[bflag:$0x3] =	sbarrier.arrive $0xFFFF  }
0x2f: {  	_ =	shalt  }

</sc_bundles>
